<compile_context>
chip_gen: v7x
topology: tpu7x:2x2x1
jax: 0.10.2.dev20260603
libtpu: 0.0.44.dev20260713+nightly
codegen_flags: <defaults>
</compile_context>

<pallas_src>
import functools

import jax
import jax.numpy as jnp
from jax import lax
from jax.experimental import pallas as pl
from jax.experimental.pallas import tpu as pltpu
from jax.experimental.pallas import tpu_sc as plsc

N = 1000000
H = 64
FD = 32
B = 16384

NC = 2
NS = 16
NW = NC * NS
TOT = 2 * B
ROWS_PER_W = TOT // NW
GRP = 16
NGRP = ROWS_PER_W // GRP


def _sc_gather_kernel(mem1, idx_hbm, out1, idx_v, rows_v, sem):
    wid = lax.axis_index("s") * NC + lax.axis_index("c")
    base = wid * ROWS_PER_W
    pltpu.sync_copy(idx_hbm.at[pl.ds(base, ROWS_PER_W)], idx_v)

    def chunk(c, carry):
        rvec = idx_v[pl.ds(c * GRP, GRP)]
        for j in range(GRP):
            r = rvec[j]
            pltpu.async_copy(
                mem1.at[pl.ds(r * H, H)],
                rows_v.at[pl.ds((c * GRP + j) * H, H)], sem)
        return carry

    lax.fori_loop(0, NGRP, chunk, 0)
    pltpu.make_async_copy(
        mem1.at[pl.ds(0, ROWS_PER_W * H)], rows_v, sem).wait()
    pltpu.sync_copy(rows_v, out1.at[pl.ds(base * H, ROWS_PER_W * H)])


def _sc_gather(mem1, idx):
    mesh = plsc.VectorSubcoreMesh(core_axis_name="c", subcore_axis_name="s")
    return pl.kernel(
        _sc_gather_kernel,
        mesh=mesh,
        compiler_params=pltpu.CompilerParams(use_tc_tiling_on_sc=False),
        out_type=jax.ShapeDtypeStruct((TOT * H,), jnp.float32),
        scratch_types=[
            pltpu.VMEM((ROWS_PER_W,), jnp.int32),
            pltpu.VMEM((ROWS_PER_W * H,), jnp.float32),
            pltpu.SemaphoreType.DMA,
        ],
    )(mem1, idx)


BLK = 2048
NBLK = B // BLK


def _tc_mlp_kernel(ms_ref, md_ref, f_ref, w1s_ref, w1d_ref, w1f_ref,
                   b1_ref, w2_ref, b2_ref, out_ref):
    acc = jnp.dot(ms_ref[:], w1s_ref[:], preferred_element_type=jnp.float32)
    acc += jnp.dot(md_ref[:], w1d_ref[:], preferred_element_type=jnp.float32)
    acc += jnp.dot(f_ref[:], w1f_ref[:], preferred_element_type=jnp.float32)
    h = jnp.maximum(acc + b1_ref[:], 0.0)
    out_ref[:] = jnp.sum(h * w2_ref[:], axis=1) + b2_ref[0, 0]


def _tc_mlp(gathered, feats, w1sT, w1dT, w1fT, b1, w2, b2):
    return pl.pallas_call(
        _tc_mlp_kernel,
        grid=(NBLK,),
        in_specs=[
            pl.BlockSpec((BLK, H), lambda i: (i, 0)),
            pl.BlockSpec((BLK, H), lambda i: (i + NBLK, 0)),
            pl.BlockSpec((BLK, FD), lambda i: (i, 0)),
            pl.BlockSpec((H, H), lambda i: (0, 0)),
            pl.BlockSpec((H, H), lambda i: (0, 0)),
            pl.BlockSpec((FD, H), lambda i: (0, 0)),
            pl.BlockSpec((1, H), lambda i: (0, 0)),
            pl.BlockSpec((1, H), lambda i: (0, 0)),
            pl.BlockSpec((1, 1), lambda i: (0, 0)),
        ],
        out_specs=pl.BlockSpec((BLK,), lambda i: (i,)),
        out_shape=jax.ShapeDtypeStruct((B,), jnp.float32),
    )(gathered, gathered, feats, w1sT, w1dT, w1fT, b1, w2, b2)


def kernel(s, d, feats, mem, w1, b1, w2, b2):
    idx = jnp.concatenate([s.astype(jnp.int32), d.astype(jnp.int32)])
    mem1 = mem.reshape(N * H)
    gathered = _sc_gather(mem1, idx).reshape(TOT, H)
    w1sT = w1[:, :H].T
    w1dT = w1[:, H:2 * H].T
    w1fT = w1[:, 2 * H:].T
    return _tc_mlp(gathered, feats, w1sT, w1dT, w1fT,
                   b1.reshape(1, H), w2, b2.reshape(1, 1))

# --- scband reference (transcript-rebuilt; emitter-appended) ---
"""Pipeline reference for scband-tgnviol-55671366090931 (READ-ONLY COPY).

The authoritative reference and input builder live on the scoring server;
editing this copy changes nothing except your own understanding.
"""

import jax, jax.numpy as jnp
import numpy as np

N = 1000000
H = 64
FD = 32
B = 16384

def setup_inputs(seed: int = 0) -> dict:
    key = jax.random.key(seed)
    ks = jax.random.split(key, 8)
    s = jax.random.randint(ks[0], (B,), 0, N, dtype=jnp.int64) if jax.config.jax_enable_x64 else jax.random.randint(ks[0], (B,), 0, N, dtype=jnp.int32)
    d = jax.random.randint(ks[1], (B,), 0, N, dtype=s.dtype)
    feats = jax.random.normal(ks[2], (B, FD), dtype=jnp.float32)
    # learned parameters
    mem = jax.random.normal(ks[3], (N, H), dtype=jnp.float32) * 0.02  # nn.Embedding weight
    lim1 = 1.0 / np.sqrt(2 * H + FD)
    w1 = jax.random.uniform(ks[4], (H, 2 * H + FD), minval=-lim1, maxval=lim1, dtype=jnp.float32)
    b1 = jax.random.uniform(ks[5], (H,), minval=-lim1, maxval=lim1, dtype=jnp.float32)
    lim2 = 1.0 / np.sqrt(H)
    w2 = jax.random.uniform(ks[6], (1, H), minval=-lim2, maxval=lim2, dtype=jnp.float32)
    b2 = jax.random.uniform(ks[7], (1,), minval=-lim2, maxval=lim2, dtype=jnp.float32)
    return {"s": s, "d": d, "feats": feats, "mem": mem, "w1": w1, "b1": b1, "w2": w2, "b2": b2}

def reference(s, d, feats, mem, w1, b1, w2, b2):
    # forward: clf(cat([mem(s), mem(d), feats], -1)).squeeze(-1)
    ms = jnp.take(mem, s, axis=0)   # gather -> SparseCore friendly
    md = jnp.take(mem, d, axis=0)
    x = jnp.concatenate([ms, md, feats], axis=-1)
    h = jax.nn.relu(x @ w1.T + b1)
    # Dropout(0.3) treated as identity (inference mode)
    out = h @ w2.T + b2
    return jnp.squeeze(out, axis=-1)

if __name__ == "__main__":
    import jax
    _d = setup_inputs()
    print(jax.jit(kernel)(*tuple(_d.values())))

</pallas_src>

<mosaic_0001>
#map = affine_map<(d0, d1) -> (0)>
module attributes {stable_mosaic.version = 14 : i64} {
  func.func @_sc_gather_kernel(%arg0: i32, %arg1: i32, %arg2: memref<64000000xf32, #tpu.memory_space<hbm>>, %arg3: memref<32768xi32, #tpu.memory_space<hbm>>, %arg4: memref<2097152xf32, #tpu.memory_space<hbm>>, %arg5: memref<1024xi32, #tpu.memory_space<vmem>>, %arg6: memref<65536xf32, #tpu.memory_space<vmem>>, %arg7: memref<!tpu.dma_semaphore, #tpu.memory_space<semaphore_mem>>) attributes {dimension_semantics = [#tpu.dimension_semantics<core_parallel>, #tpu.dimension_semantics<subcore_parallel>], iteration_bounds = array<i64: 2, 16>, scalar_prefetch = 0 : i64, scratch_operands = 3 : i64, tpu.core_type = #tpu.core_type<sc_vector_subcore>, window_params = [{transform_indices = #map}, {transform_indices = #map}, {transform_indices = #map}]} {
    %mul3A = arith.constant 2 : i32
    %mul3A_0 = arith.muli %arg1, %mul3A : i32
    %add3A = arith.addi %mul3A_0, %arg0 : i32
    %mul3A_1 = arith.constant 1024 : i32
    %mul3A_2 = arith.muli %add3A, %mul3A_1 : i32
    "tpu.region"() ({
      %run_scoped3A = tpu.sem_alloc : memref<!tpu.dma_semaphore, #tpu.memory_space<semaphore_mem>>
      %dma_start3A = tpu.memref_slice %arg3[%mul3A_2] : memref<32768xi32, #tpu.memory_space<hbm>> -> memref<1024xi32, #tpu.memory_space<hbm>>
      %dma_start3A_13 = tpu.memref_slice %arg3[%mul3A_2] : memref<32768xi32, #tpu.memory_space<hbm>> -> memref<1024xi32, #tpu.memory_space<hbm>>
      tpu.enqueue_dma source(%dma_start3A_13 : memref<1024xi32, #tpu.memory_space<hbm>>) target(%arg5 : memref<1024xi32, #tpu.memory_space<vmem>>) target_semaphore(%run_scoped3A : memref<!tpu.dma_semaphore, #tpu.memory_space<semaphore_mem>>)
      %dma_wait3A_14 = tpu.memref_slice %arg3[%mul3A_2] : memref<32768xi32, #tpu.memory_space<hbm>> -> memref<1024xi32, #tpu.memory_space<hbm>>
      %dma_wait3A_15 = tpu.memref_slice %arg3[%mul3A_2] : memref<32768xi32, #tpu.memory_space<hbm>> -> memref<1024xi32, #tpu.memory_space<hbm>>
      tpu.wait_dma2 semaphore(%run_scoped3A : memref<!tpu.dma_semaphore, #tpu.memory_space<semaphore_mem>>) src(%dma_wait3A_15 : memref<1024xi32, #tpu.memory_space<hbm>>) dst(%arg5 : memref<1024xi32, #tpu.memory_space<vmem>>)
      tpu.yield
    }) : () -> ()
    %scan3A = arith.constant 0 : i32
    %scan3A_3 = arith.constant 0 : i32
    %scan3A_4 = arith.constant 64 : i32
    %scan3A_5 = arith.addi %scan3A_3, %scan3A_4 : i32
    %scan3A_6 = arith.constant 1 : i32
    scf.for %scan3A_13 = %scan3A_3 to %scan3A_5 step %scan3A_6  : i32 {
      %mul3A_14 = arith.constant 16 : i32
      %mul3A_15 = arith.muli %scan3A_13, %mul3A_14 : i32
      %get3A = arith.index_cast %mul3A_15 : i32 to index
      %get3A_16 = tpu.vector_load %arg5[%get3A] {strides = array<i32>} : memref<1024xi32, #tpu.memory_space<vmem>>, vector<16xi32>,
      %get3A_17 = vector.shape_cast %get3A_16 : vector<16xi32> to vector<16xi32>
      %slice3A = vector.extract_strided_slice %get3A_17 {offsets = [0], sizes = [1], strides = [1]} : vector<16xi32> to vector<1xi32>
      %squeeze3A = vector.extract %slice3A[0] : i32 from vector<1xi32>
      %mul3A_18 = arith.constant 64 : i32
      %mul3A_19 = arith.muli %squeeze3A, %mul3A_18 : i32
      %mul3A_20 = arith.constant 16 : i32
      %mul3A_21 = arith.muli %scan3A_13, %mul3A_20 : i32
      %add3A_22 = arith.constant 0 : i32
      %add3A_23 = arith.addi %mul3A_21, %add3A_22 : i32
      %mul3A_24 = arith.constant 64 : i32
      %mul3A_25 = arith.muli %add3A_23, %mul3A_24 : i32
      %dma_start3A = tpu.memref_slice %arg6[%mul3A_25] : memref<65536xf32, #tpu.memory_space<vmem>> -> memref<64xf32, #tpu.memory_space<vmem>>
      %dma_start3A_26 = tpu.memref_slice %arg2[%mul3A_19] : memref<64000000xf32, #tpu.memory_space<hbm>> -> memref<64xf32, #tpu.memory_space<hbm>>
      %dma_start3A_27 = tpu.memref_slice %arg6[%mul3A_25] : memref<65536xf32, #tpu.memory_space<vmem>> -> memref<64xf32, #tpu.memory_space<vmem>>
      %dma_start3A_28 = tpu.memref_slice %arg2[%mul3A_19] : memref<64000000xf32, #tpu.memory_space<hbm>> -> memref<64xf32, #tpu.memory_space<hbm>>
      tpu.enqueue_dma source(%dma_start3A_28 : memref<64xf32, #tpu.memory_space<hbm>>) target(%dma_start3A_27 : memref<64xf32, #tpu.memory_space<vmem>>) target_semaphore(%arg7 : memref<!tpu.dma_semaphore, #tpu.memory_space<semaphore_mem>>)
      %slice3A_29 = vector.extract_strided_slice %get3A_17 {offsets = [1], sizes = [1], strides = [1]} : vector<16xi32> to vector<1xi32>
      %squeeze3A_30 = vector.extract %slice3A_29[0] : i32 from vector<1xi32>
      %mul3A_31 = arith.constant 64 : i32
      %mul3A_32 = arith.muli %squeeze3A_30, %mul3A_31 : i32
      %mul3A_33 = arith.constant 16 : i32
      %mul3A_34 = arith.muli %scan3A_13, %mul3A_33 : i32
      %add3A_35 = arith.constant 1 : i32
      %add3A_36 = arith.addi %mul3A_34, %add3A_35 : i32
      %mul3A_37 = arith.constant 64 : i32
      %mul3A_38 = arith.muli %add3A_36, %mul3A_37 : i32
      %dma_start3A_39 = tpu.memref_slice %arg6[%mul3A_38] : memref<65536xf32, #tpu.memory_space<vmem>> -> memref<64xf32, #tpu.memory_space<vmem>>
      %dma_start3A_40 = tpu.memref_slice %arg2[%mul3A_32] : memref<64000000xf32, #tpu.memory_space<hbm>> -> memref<64xf32, #tpu.memory_space<hbm>>
      %dma_start3A_41 = tpu.memref_slice %arg6[%mul3A_38] : memref<65536xf32, #tpu.memory_space<vmem>> -> memref<64xf32, #tpu.memory_space<vmem>>
      %dma_start3A_42 = tpu.memref_slice %arg2[%mul3A_32] : memref<64000000xf32, #tpu.memory_space<hbm>> -> memref<64xf32, #tpu.memory_space<hbm>>
      tpu.enqueue_dma source(%dma_start3A_42 : memref<64xf32, #tpu.memory_space<hbm>>) target(%dma_start3A_41 : memref<64xf32, #tpu.memory_space<vmem>>) target_semaphore(%arg7 : memref<!tpu.dma_semaphore, #tpu.memory_space<semaphore_mem>>)
      %slice3A_43 = vector.extract_strided_slice %get3A_17 {offsets = [2], sizes = [1], strides = [1]} : vector<16xi32> to vector<1xi32>
      %squeeze3A_44 = vector.extract %slice3A_43[0] : i32 from vector<1xi32>
      %mul3A_45 = arith.constant 64 : i32
      %mul3A_46 = arith.muli %squeeze3A_44, %mul3A_45 : i32
      %mul3A_47 = arith.constant 16 : i32
      %mul3A_48 = arith.muli %scan3A_13, %mul3A_47 : i32
      %add3A_49 = arith.constant 2 : i32
      %add3A_50 = arith.addi %mul3A_48, %add3A_49 : i32
      %mul3A_51 = arith.constant 64 : i32
      %mul3A_52 = arith.muli %add3A_50, %mul3A_51 : i32
      %dma_start3A_53 = tpu.memref_slice %arg6[%mul3A_52] : memref<65536xf32, #tpu.memory_space<vmem>> -> memref<64xf32, #tpu.memory_space<vmem>>
      %dma_start3A_54 = tpu.memref_slice %arg2[%mul3A_46] : memref<64000000xf32, #tpu.memory_space<hbm>> -> memref<64xf32, #tpu.memory_space<hbm>>
      %dma_start3A_55 = tpu.memref_slice %arg6[%mul3A_52] : memref<65536xf32, #tpu.memory_space<vmem>> -> memref<64xf32, #tpu.memory_space<vmem>>
      %dma_start3A_56 = tpu.memref_slice %arg2[%mul3A_46] : memref<64000000xf32, #tpu.memory_space<hbm>> -> memref<64xf32, #tpu.memory_space<hbm>>
      tpu.enqueue_dma source(%dma_start3A_56 : memref<64xf32, #tpu.memory_space<hbm>>) target(%dma_start3A_55 : memref<64xf32, #tpu.memory_space<vmem>>) target_semaphore(%arg7 : memref<!tpu.dma_semaphore, #tpu.memory_space<semaphore_mem>>)
      %slice3A_57 = vector.extract_strided_slice %get3A_17 {offsets = [3], sizes = [1], strides = [1]} : vector<16xi32> to vector<1xi32>
      %squeeze3A_58 = vector.extract %slice3A_57[0] : i32 from vector<1xi32>
      %mul3A_59 = arith.constant 64 : i32
      %mul3A_60 = arith.muli %squeeze3A_58, %mul3A_59 : i32
      %mul3A_61 = arith.constant 16 : i32
      %mul3A_62 = arith.muli %scan3A_13, %mul3A_61 : i32
      %add3A_63 = arith.constant 3 : i32
      %add3A_64 = arith.addi %mul3A_62, %add3A_63 : i32
      %mul3A_65 = arith.constant 64 : i32
      %mul3A_66 = arith.muli %add3A_64, %mul3A_65 : i32
      %dma_start3A_67 = tpu.memref_slice %arg6[%mul3A_66] : memref<65536xf32, #tpu.memory_space<vmem>> -> memref<64xf32, #tpu.memory_space<vmem>>
      %dma_start3A_68 = tpu.memref_slice %arg2[%mul3A_60] : memref<64000000xf32, #tpu.memory_space<hbm>> -> memref<64xf32, #tpu.memory_space<hbm>>
      %dma_start3A_69 = tpu.memref_slice %arg6[%mul3A_66] : memref<65536xf32, #tpu.memory_space<vmem>> -> memref<64xf32, #tpu.memory_space<vmem>>
      %dma_start3A_70 = tpu.memref_slice %arg2[%mul3A_60] : memref<64000000xf32, #tpu.memory_space<hbm>> -> memref<64xf32, #tpu.memory_space<hbm>>
      tpu.enqueue_dma source(%dma_start3A_70 : memref<64xf32, #tpu.memory_space<hbm>>) target(%dma_start3A_69 : memref<64xf32, #tpu.memory_space<vmem>>) target_semaphore(%arg7 : memref<!tpu.dma_semaphore, #tpu.memory_space<semaphore_mem>>)
      %slice3A_71 = vector.extract_strided_slice %get3A_17 {offsets = [4], sizes = [1], strides = [1]} : vector<16xi32> to vector<1xi32>
      %squeeze3A_72 = vector.extract %slice3A_71[0] : i32 from vector<1xi32>
      %mul3A_73 = arith.constant 64 : i32
      %mul3A_74 = arith.muli %squeeze3A_72, %mul3A_73 : i32
      %mul3A_75 = arith.constant 16 : i32
      %mul3A_76 = arith.muli %scan3A_13, %mul3A_75 : i32
      %add3A_77 = arith.constant 4 : i32
      %add3A_78 = arith.addi %mul3A_76, %add3A_77 : i32
      %mul3A_79 = arith.constant 64 : i32
      %mul3A_80 = arith.muli %add3A_78, %mul3A_79 : i32
      %dma_start3A_81 = tpu.memref_slice %arg6[%mul3A_80] : memref<65536xf32, #tpu.memory_space<vmem>> -> memref<64xf32, #tpu.memory_space<vmem>>
      %dma_start3A_82 = tpu.memref_slice %arg2[%mul3A_74] : memref<64000000xf32, #tpu.memory_space<hbm>> -> memref<64xf32, #tpu.memory_space<hbm>>
      %dma_start3A_83 = tpu.memref_slice %arg6[%mul3A_80] : memref<65536xf32, #tpu.memory_space<vmem>> -> memref<64xf32, #tpu.memory_space<vmem>>
      %dma_start3A_84 = tpu.memref_slice %arg2[%mul3A_74] : memref<64000000xf32, #tpu.memory_space<hbm>> -> memref<64xf32, #tpu.memory_space<hbm>>
      tpu.enqueue_dma source(%dma_start3A_84 : memref<64xf32, #tpu.memory_space<hbm>>) target(%dma_start3A_83 : memref<64xf32, #tpu.memory_space<vmem>>) target_semaphore(%arg7 : memref<!tpu.dma_semaphore, #tpu.memory_space<semaphore_mem>>)
      %slice3A_85 = vector.extract_strided_slice %get3A_17 {offsets = [5], sizes = [1], strides = [1]} : vector<16xi32> to vector<1xi32>
      %squeeze3A_86 = vector.extract %slice3A_85[0] : i32 from vector<1xi32>
      %mul3A_87 = arith.constant 64 : i32
      %mul3A_88 = arith.muli %squeeze3A_86, %mul3A_87 : i32
      %mul3A_89 = arith.constant 16 : i32
      %mul3A_90 = arith.muli %scan3A_13, %mul3A_89 : i32
      %add3A_91 = arith.constant 5 : i32
      %add3A_92 = arith.addi %mul3A_90, %add3A_91 : i32
      %mul3A_93 = arith.constant 64 : i32
      %mul3A_94 = arith.muli %add3A_92, %mul3A_93 : i32
      %dma_start3A_95 = tpu.memref_slice %arg6[%mul3A_94] : memref<65536xf32, #tpu.memory_space<vmem>> -> memref<64xf32, #tpu.memory_space<vmem>>
      %dma_start3A_96 = tpu.memref_slice %arg2[%mul3A_88] : memref<64000000xf32, #tpu.memory_space<hbm>> -> memref<64xf32, #tpu.memory_space<hbm>>
      %dma_start3A_97 = tpu.memref_slice %arg6[%mul3A_94] : memref<65536xf32, #tpu.memory_space<vmem>> -> memref<64xf32, #tpu.memory_space<vmem>>
      %dma_start3A_98 = tpu.memref_slice %arg2[%mul3A_88] : memref<64000000xf32, #tpu.memory_space<hbm>> -> memref<64xf32, #tpu.memory_space<hbm>>
      tpu.enqueue_dma source(%dma_start3A_98 : memref<64xf32, #tpu.memory_space<hbm>>) target(%dma_start3A_97 : memref<64xf32, #tpu.memory_space<vmem>>) target_semaphore(%arg7 : memref<!tpu.dma_semaphore, #tpu.memory_space<semaphore_mem>>)
      %slice3A_99 = vector.extract_strided_slice %get3A_17 {offsets = [6], sizes = [1], strides = [1]} : vector<16xi32> to vector<1xi32>
      %squeeze3A_100 = vector.extract %slice3A_99[0] : i32 from vector<1xi32>
      %mul3A_101 = arith.constant 64 : i32
      %mul3A_102 = arith.muli %squeeze3A_100, %mul3A_101 : i32
      %mul3A_103 = arith.constant 16 : i32
      %mul3A_104 = arith.muli %scan3A_13, %mul3A_103 : i32
      %add3A_105 = arith.constant 6 : i32
      %add3A_106 = arith.addi %mul3A_104, %add3A_105 : i32
      %mul3A_107 = arith.constant 64 : i32
      %mul3A_108 = arith.muli %add3A_106, %mul3A_107 : i32
      %dma_start3A_109 = tpu.memref_slice %arg6[%mul3A_108] : memref<65536xf32, #tpu.memory_space<vmem>> -> memref<64xf32, #tpu.memory_space<vmem>>
      %dma_start3A_110 = tpu.memref_slice %arg2[%mul3A_102] : memref<64000000xf32, #tpu.memory_space<hbm>> -> memref<64xf32, #tpu.memory_space<hbm>>
      %dma_start3A_111 = tpu.memref_slice %arg6[%mul3A_108] : memref<65536xf32, #tpu.memory_space<vmem>> -> memref<64xf32, #tpu.memory_space<vmem>>
      %dma_start3A_112 = tpu.memref_slice %arg2[%mul3A_102] : memref<64000000xf32, #tpu.memory_space<hbm>> -> memref<64xf32, #tpu.memory_space<hbm>>
      tpu.enqueue_dma source(%dma_start3A_112 : memref<64xf32, #tpu.memory_space<hbm>>) target(%dma_start3A_111 : memref<64xf32, #tpu.memory_space<vmem>>) target_semaphore(%arg7 : memref<!tpu.dma_semaphore, #tpu.memory_space<semaphore_mem>>)
      %slice3A_113 = vector.extract_strided_slice %get3A_17 {offsets = [7], sizes = [1], strides = [1]} : vector<16xi32> to vector<1xi32>
      %squeeze3A_114 = vector.extract %slice3A_113[0] : i32 from vector<1xi32>
      %mul3A_115 = arith.constant 64 : i32
      %mul3A_116 = arith.muli %squeeze3A_114, %mul3A_115 : i32
      %mul3A_117 = arith.constant 16 : i32
      %mul3A_118 = arith.muli %scan3A_13, %mul3A_117 : i32
      %add3A_119 = arith.constant 7 : i32
      %add3A_120 = arith.addi %mul3A_118, %add3A_119 : i32
      %mul3A_121 = arith.constant 64 : i32
      %mul3A_122 = arith.muli %add3A_120, %mul3A_121 : i32
      %dma_start3A_123 = tpu.memref_slice %arg6[%mul3A_122] : memref<65536xf32, #tpu.memory_space<vmem>> -> memref<64xf32, #tpu.memory_space<vmem>>
      %dma_start3A_124 = tpu.memref_slice %arg2[%mul3A_116] : memref<64000000xf32, #tpu.memory_space<hbm>> -> memref<64xf32, #tpu.memory_space<hbm>>
      %dma_start3A_125 = tpu.memref_slice %arg6[%mul3A_122] : memref<65536xf32, #tpu.memory_space<vmem>> -> memref<64xf32, #tpu.memory_space<vmem>>
      %dma_start3A_126 = tpu.memref_slice %arg2[%mul3A_116] : memref<64000000xf32, #tpu.memory_space<hbm>> -> memref<64xf32, #tpu.memory_space<hbm>>
      tpu.enqueue_dma source(%dma_start3A_126 : memref<64xf32, #tpu.memory_space<hbm>>) target(%dma_start3A_125 : memref<64xf32, #tpu.memory_space<vmem>>) target_semaphore(%arg7 : memref<!tpu.dma_semaphore, #tpu.memory_space<semaphore_mem>>)
      %slice3A_127 = vector.extract_strided_slice %get3A_17 {offsets = [8], sizes = [1], strides = [1]} : vector<16xi32> to vector<1xi32>
      %squeeze3A_128 = vector.extract %slice3A_127[0] : i32 from vector<1xi32>
      %mul3A_129 = arith.constant 64 : i32
      %mul3A_130 = arith.muli %squeeze3A_128, %mul3A_129 : i32
      %mul3A_131 = arith.constant 16 : i32
      %mul3A_132 = arith.muli %scan3A_13, %mul3A_131 : i32
      %add3A_133 = arith.constant 8 : i32
      %add3A_134 = arith.addi %mul3A_132, %add3A_133 : i32
      %mul3A_135 = arith.constant 64 : i32
      %mul3A_136 = arith.muli %add3A_134, %mul3A_135 : i32
      %dma_start3A_137 = tpu.memref_slice %arg6[%mul3A_136] : memref<65536xf32, #tpu.memory_space<vmem>> -> memref<64xf32, #tpu.memory_space<vmem>>
      %dma_start3A_138 = tpu.memref_slice %arg2[%mul3A_130] : memref<64000000xf32, #tpu.memory_space<hbm>> -> memref<64xf32, #tpu.memory_space<hbm>>
      %dma_start3A_139 = tpu.memref_slice %arg6[%mul3A_136] : memref<65536xf32, #tpu.memory_space<vmem>> -> memref<64xf32, #tpu.memory_space<vmem>>
      %dma_start3A_140 = tpu.memref_slice %arg2[%mul3A_130] : memref<64000000xf32, #tpu.memory_space<hbm>> -> memref<64xf32, #tpu.memory_space<hbm>>
      tpu.enqueue_dma source(%dma_start3A_140 : memref<64xf32, #tpu.memory_space<hbm>>) target(%dma_start3A_139 : memref<64xf32, #tpu.memory_space<vmem>>) target_semaphore(%arg7 : memref<!tpu.dma_semaphore, #tpu.memory_space<semaphore_mem>>)
      %slice3A_141 = vector.extract_strided_slice %get3A_17 {offsets = [9], sizes = [1], strides = [1]} : vector<16xi32> to vector<1xi32>
      %squeeze3A_142 = vector.extract %slice3A_141[0] : i32 from vector<1xi32>
      %mul3A_143 = arith.constant 64 : i32
      %mul3A_144 = arith.muli %squeeze3A_142, %mul3A_143 : i32
      %mul3A_145 = arith.constant 16 : i32
      %mul3A_146 = arith.muli %scan3A_13, %mul3A_145 : i32
      %add3A_147 = arith.constant 9 : i32
      %add3A_148 = arith.addi %mul3A_146, %add3A_147 : i32
      %mul3A_149 = arith.constant 64 : i32
      %mul3A_150 = arith.muli %add3A_148, %mul3A_149 : i32
      %dma_start3A_151 = tpu.memref_slice %arg6[%mul3A_150] : memref<65536xf32, #tpu.memory_space<vmem>> -> memref<64xf32, #tpu.memory_space<vmem>>
      %dma_start3A_152 = tpu.memref_slice %arg2[%mul3A_144] : memref<64000000xf32, #tpu.memory_space<hbm>> -> memref<64xf32, #tpu.memory_space<hbm>>
      %dma_start3A_153 = tpu.memref_slice %arg6[%mul3A_150] : memref<65536xf32, #tpu.memory_space<vmem>> -> memref<64xf32, #tpu.memory_space<vmem>>
      %dma_start3A_154 = tpu.memref_slice %arg2[%mul3A_144] : memref<64000000xf32, #tpu.memory_space<hbm>> -> memref<64xf32, #tpu.memory_space<hbm>>
      tpu.enqueue_dma source(%dma_start3A_154 : memref<64xf32, #tpu.memory_space<hbm>>) target(%dma_start3A_153 : memref<64xf32, #tpu.memory_space<vmem>>) target_semaphore(%arg7 : memref<!tpu.dma_semaphore, #tpu.memory_space<semaphore_mem>>)
      %slice3A_155 = vector.extract_strided_slice %get3A_17 {offsets = [10], sizes = [1], strides = [1]} : vector<16xi32> to vector<1xi32>
      %squeeze3A_156 = vector.extract %slice3A_155[0] : i32 from vector<1xi32>
      %mul3A_157 = arith.constant 64 : i32
      %mul3A_158 = arith.muli %squeeze3A_156, %mul3A_157 : i32
      %mul3A_159 = arith.constant 16 : i32
      %mul3A_160 = arith.muli %scan3A_13, %mul3A_159 : i32
      %add3A_161 = arith.constant 10 : i32
      %add3A_162 = arith.addi %mul3A_160, %add3A_161 : i32
      %mul3A_163 = arith.constant 64 : i32
      %mul3A_164 = arith.muli %add3A_162, %mul3A_163 : i32
      %dma_start3A_165 = tpu.memref_slice %arg6[%mul3A_164] : memref<65536xf32, #tpu.memory_space<vmem>> -> memref<64xf32, #tpu.memory_space<vmem>>
      %dma_start3A_166 = tpu.memref_slice %arg2[%mul3A_158] : memref<64000000xf32, #tpu.memory_space<hbm>> -> memref<64xf32, #tpu.memory_space<hbm>>
      %dma_start3A_167 = tpu.memref_slice %arg6[%mul3A_164] : memref<65536xf32, #tpu.memory_space<vmem>> -> memref<64xf32, #tpu.memory_space<vmem>>
      %dma_start3A_168 = tpu.memref_slice %arg2[%mul3A_158] : memref<64000000xf32, #tpu.memory_space<hbm>> -> memref<64xf32, #tpu.memory_space<hbm>>
      tpu.enqueue_dma source(%dma_start3A_168 : memref<64xf32, #tpu.memory_space<hbm>>) target(%dma_start3A_167 : memref<64xf32, #tpu.memory_space<vmem>>) target_semaphore(%arg7 : memref<!tpu.dma_semaphore, #tpu.memory_space<semaphore_mem>>)
      %slice3A_169 = vector.extract_strided_slice %get3A_17 {offsets = [11], sizes = [1], strides = [1]} : vector<16xi32> to vector<1xi32>
      %squeeze3A_170 = vector.extract %slice3A_169[0] : i32 from vector<1xi32>
      %mul3A_171 = arith.constant 64 : i32
      %mul3A_172 = arith.muli %squeeze3A_170, %mul3A_171 : i32
      %mul3A_173 = arith.constant 16 : i32
      %mul3A_174 = arith.muli %scan3A_13, %mul3A_173 : i32
      %add3A_175 = arith.constant 11 : i32
      %add3A_176 = arith.addi %mul3A_174, %add3A_175 : i32
      %mul3A_177 = arith.constant 64 : i32
      %mul3A_178 = arith.muli %add3A_176, %mul3A_177 : i32
      %dma_start3A_179 = tpu.memref_slice %arg6[%mul3A_178] : memref<65536xf32, #tpu.memory_space<vmem>> -> memref<64xf32, #tpu.memory_space<vmem>>
      %dma_start3A_180 = tpu.memref_slice %arg2[%mul3A_172] : memref<64000000xf32, #tpu.memory_space<hbm>> -> memref<64xf32, #tpu.memory_space<hbm>>
      %dma_start3A_181 = tpu.memref_slice %arg6[%mul3A_178] : memref<65536xf32, #tpu.memory_space<vmem>> -> memref<64xf32, #tpu.memory_space<vmem>>
      %dma_start3A_182 = tpu.memref_slice %arg2[%mul3A_172] : memref<64000000xf32, #tpu.memory_space<hbm>> -> memref<64xf32, #tpu.memory_space<hbm>>
      tpu.enqueue_dma source(%dma_start3A_182 : memref<64xf32, #tpu.memory_space<hbm>>) target(%dma_start3A_181 : memref<64xf32, #tpu.memory_space<vmem>>) target_semaphore(%arg7 : memref<!tpu.dma_semaphore, #tpu.memory_space<semaphore_mem>>)
      %slice3A_183 = vector.extract_strided_slice %get3A_17 {offsets = [12], sizes = [1], strides = [1]} : vector<16xi32> to vector<1xi32>
      %squeeze3A_184 = vector.extract %slice3A_183[0] : i32 from vector<1xi32>
      %mul3A_185 = arith.constant 64 : i32
      %mul3A_186 = arith.muli %squeeze3A_184, %mul3A_185 : i32
      %mul3A_187 = arith.constant 16 : i32
      %mul3A_188 = arith.muli %scan3A_13, %mul3A_187 : i32
      %add3A_189 = arith.constant 12 : i32
      %add3A_190 = arith.addi %mul3A_188, %add3A_189 : i32
      %mul3A_191 = arith.constant 64 : i32
      %mul3A_192 = arith.muli %add3A_190, %mul3A_191 : i32
      %dma_start3A_193 = tpu.memref_slice %arg6[%mul3A_192] : memref<65536xf32, #tpu.memory_space<vmem>> -> memref<64xf32, #tpu.memory_space<vmem>>
      %dma_start3A_194 = tpu.memref_slice %arg2[%mul3A_186] : memref<64000000xf32, #tpu.memory_space<hbm>> -> memref<64xf32, #tpu.memory_space<hbm>>
      %dma_start3A_195 = tpu.memref_slice %arg6[%mul3A_192] : memref<65536xf32, #tpu.memory_space<vmem>> -> memref<64xf32, #tpu.memory_space<vmem>>
      %dma_start3A_196 = tpu.memref_slice %arg2[%mul3A_186] : memref<64000000xf32, #tpu.memory_space<hbm>> -> memref<64xf32, #tpu.memory_space<hbm>>
      tpu.enqueue_dma source(%dma_start3A_196 : memref<64xf32, #tpu.memory_space<hbm>>) target(%dma_start3A_195 : memref<64xf32, #tpu.memory_space<vmem>>) target_semaphore(%arg7 : memref<!tpu.dma_semaphore, #tpu.memory_space<semaphore_mem>>)
      %slice3A_197 = vector.extract_strided_slice %get3A_17 {offsets = [13], sizes = [1], strides = [1]} : vector<16xi32> to vector<1xi32>
      %squeeze3A_198 = vector.extract %slice3A_197[0] : i32 from vector<1xi32>
      %mul3A_199 = arith.constant 64 : i32
      %mul3A_200 = arith.muli %squeeze3A_198, %mul3A_199 : i32
      %mul3A_201 = arith.constant 16 : i32
      %mul3A_202 = arith.muli %scan3A_13, %mul3A_201 : i32
      %add3A_203 = arith.constant 13 : i32
      %add3A_204 = arith.addi %mul3A_202, %add3A_203 : i32
      %mul3A_205 = arith.constant 64 : i32
      %mul3A_206 = arith.muli %add3A_204, %mul3A_205 : i32
      %dma_start3A_207 = tpu.memref_slice %arg6[%mul3A_206] : memref<65536xf32, #tpu.memory_space<vmem>> -> memref<64xf32, #tpu.memory_space<vmem>>
      %dma_start3A_208 = tpu.memref_slice %arg2[%mul3A_200] : memref<64000000xf32, #tpu.memory_space<hbm>> -> memref<64xf32, #tpu.memory_space<hbm>>
      %dma_start3A_209 = tpu.memref_slice %arg6[%mul3A_206] : memref<65536xf32, #tpu.memory_space<vmem>> -> memref<64xf32, #tpu.memory_space<vmem>>
      %dma_start3A_210 = tpu.memref_slice %arg2[%mul3A_200] : memref<64000000xf32, #tpu.memory_space<hbm>> -> memref<64xf32, #tpu.memory_space<hbm>>
      tpu.enqueue_dma source(%dma_start3A_210 : memref<64xf32, #tpu.memory_space<hbm>>) target(%dma_start3A_209 : memref<64xf32, #tpu.memory_space<vmem>>) target_semaphore(%arg7 : memref<!tpu.dma_semaphore, #tpu.memory_space<semaphore_mem>>)
      %slice3A_211 = vector.extract_strided_slice %get3A_17 {offsets = [14], sizes = [1], strides = [1]} : vector<16xi32> to vector<1xi32>
      %squeeze3A_212 = vector.extract %slice3A_211[0] : i32 from vector<1xi32>
      %mul3A_213 = arith.constant 64 : i32
      %mul3A_214 = arith.muli %squeeze3A_212, %mul3A_213 : i32
      %mul3A_215 = arith.constant 16 : i32
      %mul3A_216 = arith.muli %scan3A_13, %mul3A_215 : i32
      %add3A_217 = arith.constant 14 : i32
      %add3A_218 = arith.addi %mul3A_216, %add3A_217 : i32
      %mul3A_219 = arith.constant 64 : i32
      %mul3A_220 = arith.muli %add3A_218, %mul3A_219 : i32
      %dma_start3A_221 = tpu.memref_slice %arg6[%mul3A_220] : memref<65536xf32, #tpu.memory_space<vmem>> -> memref<64xf32, #tpu.memory_space<vmem>>
      %dma_start3A_222 = tpu.memref_slice %arg2[%mul3A_214] : memref<64000000xf32, #tpu.memory_space<hbm>> -> memref<64xf32, #tpu.memory_space<hbm>>
      %dma_start3A_223 = tpu.memref_slice %arg6[%mul3A_220] : memref<65536xf32, #tpu.memory_space<vmem>> -> memref<64xf32, #tpu.memory_space<vmem>>
      %dma_start3A_224 = tpu.memref_slice %arg2[%mul3A_214] : memref<64000000xf32, #tpu.memory_space<hbm>> -> memref<64xf32, #tpu.memory_space<hbm>>
      tpu.enqueue_dma source(%dma_start3A_224 : memref<64xf32, #tpu.memory_space<hbm>>) target(%dma_start3A_223 : memref<64xf32, #tpu.memory_space<vmem>>) target_semaphore(%arg7 : memref<!tpu.dma_semaphore, #tpu.memory_space<semaphore_mem>>)
      %slice3A_225 = vector.extract_strided_slice %get3A_17 {offsets = [15], sizes = [1], strides = [1]} : vector<16xi32> to vector<1xi32>
      %squeeze3A_226 = vector.extract %slice3A_225[0] : i32 from vector<1xi32>
      %mul3A_227 = arith.constant 64 : i32
      %mul3A_228 = arith.muli %squeeze3A_226, %mul3A_227 : i32
      %mul3A_229 = arith.constant 16 : i32
      %mul3A_230 = arith.muli %scan3A_13, %mul3A_229 : i32
      %add3A_231 = arith.constant 15 : i32
      %add3A_232 = arith.addi %mul3A_230, %add3A_231 : i32
      %mul3A_233 = arith.constant 64 : i32
      %mul3A_234 = arith.muli %add3A_232, %mul3A_233 : i32
      %dma_start3A_235 = tpu.memref_slice %arg6[%mul3A_234] : memref<65536xf32, #tpu.memory_space<vmem>> -> memref<64xf32, #tpu.memory_space<vmem>>
      %dma_start3A_236 = tpu.memref_slice %arg2[%mul3A_228] : memref<64000000xf32, #tpu.memory_space<hbm>> -> memref<64xf32, #tpu.memory_space<hbm>>
      %dma_start3A_237 = tpu.memref_slice %arg6[%mul3A_234] : memref<65536xf32, #tpu.memory_space<vmem>> -> memref<64xf32, #tpu.memory_space<vmem>>
      %dma_start3A_238 = tpu.memref_slice %arg2[%mul3A_228] : memref<64000000xf32, #tpu.memory_space<hbm>> -> memref<64xf32, #tpu.memory_space<hbm>>
      tpu.enqueue_dma source(%dma_start3A_238 : memref<64xf32, #tpu.memory_space<hbm>>) target(%dma_start3A_237 : memref<64xf32, #tpu.memory_space<vmem>>) target_semaphore(%arg7 : memref<!tpu.dma_semaphore, #tpu.memory_space<semaphore_mem>>)
    }
    %scan3A_7 = arith.constant 64 : i32
    %dma_wait3A = arith.constant 0 : i32
    %dma_wait3A_8 = tpu.memref_slice %arg2[%dma_wait3A] : memref<64000000xf32, #tpu.memory_space<hbm>> -> memref<65536xf32, #tpu.memory_space<hbm>>
    %dma_wait3A_9 = arith.constant 0 : i32
    %dma_wait3A_10 = tpu.memref_slice %arg2[%dma_wait3A_9] : memref<64000000xf32, #tpu.memory_space<hbm>> -> memref<65536xf32, #tpu.memory_space<hbm>>
    tpu.wait_dma2 semaphore(%arg7 : memref<!tpu.dma_semaphore, #tpu.memory_space<semaphore_mem>>) src(%dma_wait3A_10 : memref<65536xf32, #tpu.memory_space<hbm>>) dst(%arg6 : memref<65536xf32, #tpu.memory_space<vmem>>)
    %mul3A_11 = arith.constant 64 : i32
    %mul3A_12 = arith.muli %mul3A_2, %mul3A_11 : i32
    "tpu.region"() ({
      %run_scoped3A = tpu.sem_alloc : memref<!tpu.dma_semaphore, #tpu.memory_space<semaphore_mem>>
      %dma_start3A = tpu.memref_slice %arg4[%mul3A_12] : memref<2097152xf32, #tpu.memory_space<hbm>> -> memref<65536xf32, #tpu.memory_space<hbm>>
      %dma_start3A_13 = tpu.memref_slice %arg4[%mul3A_12] : memref<2097152xf32, #tpu.memory_space<hbm>> -> memref<65536xf32, #tpu.memory_space<hbm>>
      tpu.enqueue_dma source(%arg6 : memref<65536xf32, #tpu.memory_space<vmem>>) target(%dma_start3A_13 : memref<65536xf32, #tpu.memory_space<hbm>>) target_semaphore(%run_scoped3A : memref<!tpu.dma_semaphore, #tpu.memory_space<semaphore_mem>>)
      %dma_wait3A_14 = tpu.memref_slice %arg4[%mul3A_12] : memref<2097152xf32, #tpu.memory_space<hbm>> -> memref<65536xf32, #tpu.memory_space<hbm>>
      %dma_wait3A_15 = tpu.memref_slice %arg4[%mul3A_12] : memref<2097152xf32, #tpu.memory_space<hbm>> -> memref<65536xf32, #tpu.memory_space<hbm>>
      tpu.wait_dma2 semaphore(%run_scoped3A : memref<!tpu.dma_semaphore, #tpu.memory_space<semaphore_mem>>) src(%arg6 : memref<65536xf32, #tpu.memory_space<vmem>>) dst(%dma_wait3A_15 : memref<65536xf32, #tpu.memory_space<hbm>>)
      tpu.yield
    }) : () -> ()
    return
  }
}

module attributes {stable_mosaic.version = 14 : i64} {
  func.func @_tc_mlp_kernel(%arg0: i32, %arg1: memref<2048x64xf32, #tpu.memory_space<vmem>>, %arg2: memref<2048x64xf32, #tpu.memory_space<vmem>>, %arg3: memref<2048x32xf32, #tpu.memory_space<vmem>>, %arg4: memref<64x64xf32, #tpu.memory_space<vmem>>, %arg5: memref<64x64xf32, #tpu.memory_space<vmem>>, %arg6: memref<32x64xf32, #tpu.memory_space<vmem>>, %arg7: memref<1x64xf32, #tpu.memory_space<vmem>>, %arg8: memref<1x64xf32, #tpu.memory_space<vmem>>, %arg9: memref<1x1xf32, #tpu.memory_space<vmem>>, %arg10: memref<2048xf32, #tpu.memory_space<vmem>>) attributes {dimension_semantics = [#tpu.dimension_semantics<arbitrary>], iteration_bounds = array<i64: 8>, scalar_prefetch = 0 : i64, scratch_operands = 0 : i64, tpu.core_type = #tpu.core_type<tc>, window_params = [{transform_indices = @transform_0, window_bounds = array<i64: 2048, 64>}, {transform_indices = @transform_1, window_bounds = array<i64: 2048, 64>}, {transform_indices = @transform_2, window_bounds = array<i64: 2048, 32>}, {pipeline_mode = #tpu.pipeline_mode<synchronous>, transform_indices = @transform_3, window_bounds = array<i64: 64, 64>}, {pipeline_mode = #tpu.pipeline_mode<synchronous>, transform_indices = @transform_4, window_bounds = array<i64: 64, 64>}, {pipeline_mode = #tpu.pipeline_mode<synchronous>, transform_indices = @transform_5, window_bounds = array<i64: 32, 64>}, {pipeline_mode = #tpu.pipeline_mode<synchronous>, transform_indices = @transform_6, window_bounds = array<i64: 1, 64>}, {pipeline_mode = #tpu.pipeline_mode<synchronous>, transform_indices = @transform_7, window_bounds = array<i64: 1, 64>}, {pipeline_mode = #tpu.pipeline_mode<synchronous>, transform_indices = @transform_8, window_bounds = array<i64: 1, 1>}, {transform_indices = @transform_9, window_bounds = array<i64: 2048>}]} {
    %get3A = arith.constant 0 : index
    %get3A_0 = arith.constant 0 : index
    %get3A_1 = vector.load %arg1[%get3A, %get3A_0] : memref<2048x64xf32, #tpu.memory_space<vmem>>, vector<2048x64xf32>
    %get3A_2 = arith.constant 0 : index
    %get3A_3 = arith.constant 0 : index
    %get3A_4 = vector.load %arg4[%get3A_2, %get3A_3] : memref<64x64xf32, #tpu.memory_space<vmem>>, vector<64x64xf32>
    %dot_general3A = arith.constant dense<0.000000e+00> : vector<2048x64xf32>
    %dot_general3A_5 = tpu.matmul %get3A_1, %get3A_4, %dot_general3A {dimension_numbers = #tpu.dot_dimension_numbers<[1], [0], [0], [1], [0, 0, 1, 1], [], []>, transpose_lhs_hint = false} : vector<2048x64xf32>, vector<64x64xf32>, vector<2048x64xf32> -> vector<2048x64xf32>
    %get3A_6 = arith.constant 0 : index
    %get3A_7 = arith.constant 0 : index
    %get3A_8 = vector.load %arg2[%get3A_6, %get3A_7] : memref<2048x64xf32, #tpu.memory_space<vmem>>, vector<2048x64xf32>
    %get3A_9 = arith.constant 0 : index
    %get3A_10 = arith.constant 0 : index
    %get3A_11 = vector.load %arg5[%get3A_9, %get3A_10] : memref<64x64xf32, #tpu.memory_space<vmem>>, vector<64x64xf32>
    %dot_general3A_12 = arith.constant dense<0.000000e+00> : vector<2048x64xf32>
    %dot_general3A_13 = tpu.matmul %get3A_8, %get3A_11, %dot_general3A_12 {dimension_numbers = #tpu.dot_dimension_numbers<[1], [0], [0], [1], [0, 0, 1, 1], [], []>, transpose_lhs_hint = false} : vector<2048x64xf32>, vector<64x64xf32>, vector<2048x64xf32> -> vector<2048x64xf32>
    %add3A = arith.addf %dot_general3A_5, %dot_general3A_13 : vector<2048x64xf32>
    %get3A_14 = arith.constant 0 : index
    %get3A_15 = arith.constant 0 : index
    %get3A_16 = vector.load %arg3[%get3A_14, %get3A_15] : memref<2048x32xf32, #tpu.memory_space<vmem>>, vector<2048x32xf32>
    %get3A_17 = arith.constant 0 : index
    %get3A_18 = arith.constant 0 : index
    %get3A_19 = vector.load %arg6[%get3A_17, %get3A_18] : memref<32x64xf32, #tpu.memory_space<vmem>>, vector<32x64xf32>
    %dot_general3A_20 = arith.constant dense<0.000000e+00> : vector<2048x64xf32>
    %dot_general3A_21 = tpu.matmul %get3A_16, %get3A_19, %dot_general3A_20 {dimension_numbers = #tpu.dot_dimension_numbers<[1], [0], [0], [1], [0, 0, 1, 1], [], []>, transpose_lhs_hint = false} : vector<2048x32xf32>, vector<32x64xf32>, vector<2048x64xf32> -> vector<2048x64xf32>
    %add3A_22 = arith.addf %add3A, %dot_general3A_21 : vector<2048x64xf32>
    %get3A_23 = arith.constant 0 : index
    %get3A_24 = arith.constant 0 : index
    %get3A_25 = vector.load %arg7[%get3A_23, %get3A_24] : memref<1x64xf32, #tpu.memory_space<vmem>>, vector<1x64xf32>
    %add3A_26 = vector.broadcast %get3A_25 : vector<1x64xf32> to vector<2048x64xf32>
    %add3A_27 = arith.addf %add3A_22, %add3A_26 : vector<2048x64xf32>
    %max3A = arith.constant 0.000000e+00 : f32
    %max3A_28 = vector.broadcast %max3A : f32 to vector<2048x64xf32>
    %max3A_29 = arith.maximumf %add3A_27, %max3A_28 : vector<2048x64xf32>
    %get3A_30 = arith.constant 0 : index
    %get3A_31 = arith.constant 0 : index
    %get3A_32 = vector.load %arg8[%get3A_30, %get3A_31] : memref<1x64xf32, #tpu.memory_space<vmem>>, vector<1x64xf32>
    %mul3A = vector.broadcast %get3A_32 : vector<1x64xf32> to vector<2048x64xf32>
    %mul3A_33 = arith.mulf %max3A_29, %mul3A : vector<2048x64xf32>
    %reduce_sum3A = arith.constant dense<0.000000e+00> : vector<2048xf32>
    %reduce_sum3A_34 = vector.multi_reduction <add>, %mul3A_33, %reduce_sum3A [1] : vector<2048x64xf32> to vector<2048xf32>
    %get3A_35 = arith.constant 0 : index
    %get3A_36 = arith.constant 0 : index
    %get3A_37 = vector.load %arg9[%get3A_35, %get3A_36] : memref<1x1xf32, #tpu.memory_space<vmem>>, vector<1x1xf32>
    %get3A_38 = vector.extract %get3A_37[0, 0] : f32 from vector<1x1xf32>
    %add3A_39 = vector.broadcast %get3A_38 : f32 to vector<2048xf32>
    %add3A_40 = arith.addf %reduce_sum3A_34, %add3A_39 : vector<2048xf32>
    %swap3A = arith.constant 0 : index
    %swap3A_41 = vector.load %arg10[%swap3A] : memref<2048xf32, #tpu.memory_space<vmem>>, vector<2048xf32>
    tpu.vector_store %arg10[%swap3A], %add3A_40 {strides = array<i32>} : memref<2048xf32, #tpu.memory_space<vmem>>, vector<2048xf32>,
    return
  }
  func.func @transform_0(%arg0: i32) -> (i32, i32) {
    %c0_i32 = arith.constant 0 : i32
    %c0_i32_0 = arith.constant 0 : i32
    return %arg0, %c0_i32 : i32, i32
  }
  func.func @transform_1(%arg0: i32) -> (i32, i32) {
    %add3A = arith.constant 8 : i32
    %add3A_0 = arith.addi %arg0, %add3A : i32
    %c0_i32 = arith.constant 0 : i32
    %c0_i32_1 = arith.constant 0 : i32
    return %add3A_0, %c0_i32 : i32, i32
  }
  func.func @transform_2(%arg0: i32) -> (i32, i32) {
    %c0_i32 = arith.constant 0 : i32
    %c0_i32_0 = arith.constant 0 : i32
    return %arg0, %c0_i32 : i32, i32
  }
  func.func @transform_3(%arg0: i32) -> (i32, i32) {
    %c0_i32 = arith.constant 0 : i32
    %c0_i32_0 = arith.constant 0 : i32
    %c0_i32_1 = arith.constant 0 : i32
    return %c0_i32, %c0_i32_0 : i32, i32
  }
  func.func @transform_4(%arg0: i32) -> (i32, i32) {
    %c0_i32 = arith.constant 0 : i32
    %c0_i32_0 = arith.constant 0 : i32
    %c0_i32_1 = arith.constant 0 : i32
    return %c0_i32, %c0_i32_0 : i32, i32
  }
  func.func @transform_5(%arg0: i32) -> (i32, i32) {
    %c0_i32 = arith.constant 0 : i32
    %c0_i32_0 = arith.constant 0 : i32
    %c0_i32_1 = arith.constant 0 : i32
    return %c0_i32, %c0_i32_0 : i32, i32
  }
  func.func @transform_6(%arg0: i32) -> (i32, i32) {
    %c0_i32 = arith.constant 0 : i32
    %c0_i32_0 = arith.constant 0 : i32
    %c0_i32_1 = arith.constant 0 : i32
    return %c0_i32, %c0_i32_0 : i32, i32
  }
  func.func @transform_7(%arg0: i32) -> (i32, i32) {
    %c0_i32 = arith.constant 0 : i32
    %c0_i32_0 = arith.constant 0 : i32
    %c0_i32_1 = arith.constant 0 : i32
    return %c0_i32, %c0_i32_0 : i32, i32
  }
  func.func @transform_8(%arg0: i32) -> (i32, i32) {
    %c0_i32 = arith.constant 0 : i32
    %c0_i32_0 = arith.constant 0 : i32
    %c0_i32_1 = arith.constant 0 : i32
    return %c0_i32, %c0_i32_0 : i32, i32
  }
  func.func @transform_9(%arg0: i32) -> i32 {
    %c0_i32 = arith.constant 0 : i32
    return %arg0 : i32
  }
}

</mosaic_0001>

<sc_bundles>
// kernel: kernel.4.cloned.1.call-start
scs
__scs_entry_jumppad:
0x0: {  	(pc) =	sbr.rel $0x88, $3  }
0x1: {  	(tag) =	ssettag $0x0;
	lr =	simm.s32 $0x1  }
0x2: {  	[smem:$0x3F99] =	sst lr;
	_ =	strace $0xD0000000  }
0x3: {  	_ = 	snop  }
0x4: {  	_ = 	snop  }
0x5: {  	_ = 	snop  }
0x6: {  	_ = 	snop  }
0x7: {  	_ = 	snop  }
__scs_overlays_trampoline_lowered:
0x8: {  	[smem:$0x3FA8] =	sst s0  }
0x9: {  	[smem:$0x3FA9] =	sst s1  }
0xa: {  	[smem:$0x3FAA] =	sst s2  }
0xb: {  	[smem:$0x3FAB] =	sst s3  }
0xc: {  	[smem:$0x3FAC] =	sst s4  }
0xd: {  	[smem:$0x3FAD] =	sst s5  }
0xe: {  	[smem:$0x3FAE] =	sst s6  }
0xf: {  	[smem:$0x3FAF] =	sst s7  }
0x10: {  	[smem:$0x3FB0] =	sst s8  }
0x11: {  	[smem:$0x3FB1] =	sst s9;
	s0 =	simm.s32 @!p0 $0x0  }
0x12: {  	s1 =	sld [smem:$0x3F97];
	s0 =	simm.s32 @p0 $0x1  }
0x13: {  	[smem:$0x3FB2] =	sst s0;
	s0 =	simm.s32 @!p1 $0x0  }
0x14: {  	s2 =	sld [smem:$0x3F96];
	s0 =	simm.s32 @p1 $0x1  }
0x15: {  	[smem:$0x3FB3] =	sst s0;
	s0 =	simm.s32 @!p2 $0x0  }
0x16: {  	s3 =	sld [smem:$0x3FDB];
	s0 =	simm.s32 @p2 $0x1  }
0x17: {  	s4 =	simm.s32 $0x1BF5;
	[smem:$0x3FB5] =	sst s0  }
0x18: {  	s0 =	sld [smem:$0x3F98];
	_ =	swait.ge [sflag:s4], $0x0  }
0x19: {  	s7 =	sld [smem:$0x3F99]  }
0x1a: {  	s8 =	sadd.s32 $0xFFFFE003, lr  }
0x1b: {  	s9 =	sadd.s32 $0xFFFFFEF7, lr;
	s5 =	simm.s32 $0xFFFFFFFF;
	p2 =	slt.u32 s8, $0xFFFFF086  }
0x1c: {  	p1 =	slt.u32 s9, $0xF7A;
	s5 =	simm.s32 @!p2 $0x0  }
0x1d: {  	s5 =	simm.s32 @p1 $0x1;
	p0 =	seq.s32 s7, s2  }
0x1e: {  	s7 =	smul.u32 @!p0 $0xF7A, s2;
	p2 =	seq.s32 @!p0 s5, $0x0  }
0x1f: {  	s9 =	smul.u32 $0xF7A, s1;
	s8 =	simm.s32 @!p0 $0x1BF5;
	p2 =	por !p2, p0  }
0x20: {  	[sflag:s8] =	ssyncset.s32 @!p0 $0xFFFFF086;
	s6 =	sadd.s32 @!p0 s3, s7;
	s7 =	simm.s32 @!p0 $0x108  }
0x21: {  	s3 =	sadd.s32 s3, s9;
	s6 =	sadd.s32 @!p0 $0x88, s6;
	s7 =	simm.s32 @p2 $0x1082  }
0x22: {  	[simem:s7], [sflag:s8] =	dma.local @!p0 [hbm:s6], $0xF7A  }
0x23: {  	s9 =	sor.u32 $0xD0000000, s2;
	s6 =	simm.s32 $0x108;
	_ =	swait.ge @!p0 [sflag:s8], $0x0  }
0x24: {  	s3 =	sadd.s32 $0x88, s3;
	s6 =	simm.s32 @!p1 $0x1082;
	[sflag:s4] =	ssyncset.s32 $0xFFFFF086  }
0x25: {  	[simem:s6], [sflag:s4] =	dma.local [hbm:s3], $0xF7A  }
0x26: {  	[smem:$0x3F99] =	sst s1;
	(tag) =	ssettag s2;
	_ =	strace s9  }
0x27: {  	s1 =	sld [smem:$0x3FA9]  }
0x28: {  	s2 =	sld [smem:$0x3FAA]  }
0x29: {  	s4 =	sld [smem:$0x3FAC]  }
0x2a: {  	p0 =	seq.s32 s5, $0x0;
	s5 =	sld [smem:$0x3FAD]  }
0x2b: {  	s6 =	sld [smem:$0x3FAE]  }
0x2c: {  	s7 =	sld [smem:$0x3FAF]  }
0x2d: {  	s3 =	simm.s32 $0x108;
	s8 =	sld [smem:$0x3FB0]  }
0x2e: {  	s3 =	simm.s32 @!p0 $0x1082;
	s9 =	sld [smem:$0x3FB1]  }
0x2f: {  	lr =	sadd.s32 s0, s3;
	s0 =	sld [smem:$0x3FA8]  }
0x30: {  	s3 =	sld [smem:$0x3FAB]  }
0x31: {  	[smem:$0x3FB4] =	sst s10  }
0x32: {  	s10 =	sld [smem:$0x3FB2];
	_ =	sdelay $0x3  }
0x33: {  	p0 =	seq.s32 s10, $0x1;
	s10 =	sld [smem:$0x3FB4];
	_ =	sdelay $0x3  }
0x34: {  	[smem:$0x3FB4] =	sst s10  }
0x35: {  	s10 =	sld [smem:$0x3FB3];
	_ =	sdelay $0x3  }
0x36: {  	p1 =	seq.s32 s10, $0x1;
	s10 =	sld [smem:$0x3FB4];
	_ =	sdelay $0x3  }
0x37: {  	[smem:$0x3FB4] =	sst s10  }
0x38: {  	s10 =	sld [smem:$0x3FB5]  }
0x39: {  	_ = 	snop;
	(pc) =	sbr.ind lr, $3  }
0x3a: {  	_ = 	snop  }
0x3b: {  	_ = 	snop  }
0x3c: {  	p2 =	seq.s32 s10, $0x1;
	s10 =	sld [smem:$0x3FB4]  }
0x3d: {  	_ =	shalt  }
0x3e: {  	_ =	shalt  }
0x3f: {  	_ =	shalt  }
0x40: {  	_ =	shalt  }
0x41: {  	_ =	shalt  }
0x42: {  	_ =	shalt  }
0x43: {  	_ =	shalt  }
0x44: {  	_ =	shalt  }
0x45: {  	_ =	shalt  }
0x46: {  	_ =	shalt  }
0x47: {  	_ =	shalt  }
0x48: {  	_ =	shalt  }
0x49: {  	_ =	shalt  }
0x4a: {  	_ =	shalt  }
0x4b: {  	_ =	shalt  }
0x4c: {  	_ =	shalt  }
0x4d: {  	_ =	shalt  }
0x4e: {  	_ =	shalt  }
0x4f: {  	_ =	shalt  }
0x50: {  	_ =	shalt  }
0x51: {  	_ =	shalt  }
0x52: {  	_ =	shalt  }
0x53: {  	_ =	shalt  }
0x54: {  	_ =	shalt  }
0x55: {  	_ =	shalt  }
0x56: {  	_ =	shalt  }
0x57: {  	_ =	shalt  }
0x58: {  	_ =	shalt  }
0x59: {  	_ =	shalt  }
0x5a: {  	_ =	shalt  }
0x5b: {  	_ =	shalt  }
0x5c: {  	_ =	shalt  }
0x5d: {  	_ =	shalt  }
0x5e: {  	_ =	shalt  }
0x5f: {  	_ =	shalt  }
0x60: {  	_ =	shalt  }
0x61: {  	_ =	shalt  }
0x62: {  	_ =	shalt  }
0x63: {  	_ =	shalt  }
0x64: {  	_ =	shalt  }
0x65: {  	_ =	shalt  }
0x66: {  	_ =	shalt  }
0x67: {  	_ =	shalt  }
0x68: {  	_ =	shalt  }
0x69: {  	_ =	shalt  }
0x6a: {  	_ =	shalt  }
0x6b: {  	_ =	shalt  }
0x6c: {  	_ =	shalt  }
0x6d: {  	_ =	shalt  }
0x6e: {  	_ =	shalt  }
0x6f: {  	_ =	shalt  }
0x70: {  	_ =	shalt  }
0x71: {  	_ =	shalt  }
0x72: {  	_ =	shalt  }
0x73: {  	_ =	shalt  }
0x74: {  	_ =	shalt  }
0x75: {  	_ =	shalt  }
0x76: {  	_ =	shalt  }
0x77: {  	_ =	shalt  }
0x78: {  	_ =	shalt  }
0x79: {  	_ =	shalt  }
0x7a: {  	_ =	shalt  }
0x7b: {  	_ =	shalt  }
0x7c: {  	_ =	shalt  }
0x7d: {  	_ =	shalt  }
0x7e: {  	_ =	shalt  }
0x7f: {  	_ =	shalt  }
0x80: {  	_ =	shalt  }
0x81: {  	_ =	shalt  }
0x82: {  	_ =	shalt  }
0x83: {  	_ =	shalt  }
0x84: {  	_ =	shalt  }
0x85: {  	_ =	shalt  }
0x86: {  	_ =	shalt  }
0x87: {  	_ =	shalt  }
.Lfunc_end0:
.L_simem_size_0:
called_computation_lowered:
.L_overlay_start_0:
0x88: {  	s2 =	sld [smem:$0x3FD9]  }
0x89: {  	s3 =	sld [smem:$0x3FFE];
	_ =	sdelay $0x1  }
0x8a: {  	s1 =	srdreg.scid  }
0x8b: {  	s0 =	sand.u32 $0x1, s1  }
0x8c: {  	s16 =	sshll.u32 s0, $0xA;
	s2 =	sadd.s32 s3, s2  }
0x8d: {  	s2 =	sadd.s32 s2, s16  }
0x8e: {  	[smem:$0x3FC0] =	sst s2  }
0x8f: {  	_ = 	snop  }
0x90: {  	(tm) =	ssettm $0x1  }
0x91: {  	s17 =	sld [smem:$0x3FFB];
	_ =	sdelay $0x3  }
0x92: {  	_ =	strace s17  }
0x93: {  	s2 =	sld [smem:$0x3FFC];
	_ =	sdelay $0x3  }
0x94: {  	_ =	strace s2  }
0x95: {  	s2 =	sld [smem:$0x3FFD];
	_ =	sdelay $0x3  }
0x96: {  	_ =	strace s2  }
0x97: {  	_ =	strace $0x8FFFFFFF  }
0x98: {  	s18 =	sld [smem:$0x3FDB];
	_ =	sdelay $0x1  }
0x99: {  	s19 =	simm.s32 $_scs_section_size  }
0x9a: {  	s4 =	simm.s32 $_size__tile_overlayer_lowered;
	s5 =	simm.s32 $_tile_overlayer_lowered  }
0x9b: {  	s22 =	simm.s32 $0x1BFF;
	s21 =	sshll.u32 s5, $0x1;
	s2 =	sadd.s32 s19, s18  }
0x9c: {  	s6 =	simm.s32 $0x0;
	s20 =	sshll.u32 s4, $0x1;
	s4 =	sadd.s32 s21, s2  }
0x9d: {  	[timem:s6], [sflag:s22] =	dma.local [hbm:s4], s20  }
0x9e: {  	_ =	swait.ge [sflag:s22], s20  }
0x9f: {  	s3 =	ssub.s32 $0x0, s20;
	[sflag:s22] =	ssyncset.done $0x0  }
0xa0: {  	[sflag:s22] =	ssyncadd.s32 s3;
	_ =	sdelay $0x1  }
0xa1: {  	s23 =	simm.s32 $0x1B8B  }
0xa2: {  	_ =	swait.ge [sflag:s23], $0x1  }
0xa3: {  	[sflag:s23] =	ssyncset.done $0x0  }
0xa4: {  	s25 =	simm.s32 $0x1B8E;
	s24 =	sld [smem:$0x3FFE];
	[sflag:s23] =	ssyncadd.s32 $0xFFFFFFFF  }
0xa5: {  	s26 =	simm.s32 $execute0_lowered;
	[smem:$0x3FD2] =	sst s25  }
0xa6: {  	s4 =	sshll.u32 s26, $0x1;
	_ =	strace $0x80000046;
	[dreg:$0x1] =	wrdreg $0xFFFFFFFF  }
0xa7: {  	s28 =	simm.s32 $_size_execute0_lowered;
	s2 =	sadd.s32 s2, s4;
	[dreg:$0x0] =	wrdreg $0x0  }
0xa8: {  	s4 =	sshll.u32 s28, $0x1;
	[dreg:$0x2] =	wrdreg s2  }
0xa9: {  	[dreg:$0x3] =	wrdreg s4  }
0xaa: {  	[dreg:$0x4] =	wrdreg $0xC0  }
0xab: {  	_ =	task [dreg:s6], $0x5FFFF  }
0xac: {  	[dreg:$0x1] =	wrdreg $0xFFFFFFFF  }
0xad: {  	[dreg:$0x0] =	wrdreg $0x60  }
0xae: {  	[dreg:$0x2] =	wrdreg s24  }
0xaf: {  	[dreg:$0x3] =	wrdreg $0x9  }
0xb0: {  	_ =	task.clear_ibuf [dreg:s6], $0x4FFFF;
	_ =	strace $0x90000046  }
0xb1: {  	s29 =	simm.s32 $0x9;
	_ =	strace $0x80000048  }
0xb2: {  	_ =	swait.ge [sflag:s29], $0x1  }
0xb3: {  	[sflag:s29] =	ssyncadd.s32 $0xFFFFFFFF  }
0xb4: {  	_ =	strace $0x90000048  }
0xb5: {  	_ =	sfence  }
0xb6: {  	s30 =	sld [smem:$0x0];
	_ =	sdelay $0x2  }
0xb7: {  	s31 =	sshll.u32 s1, $0xD;
	s1 =	sshrl.u32 s1, $0x2  }
0xb8: {  	s3 =	sand.u32 $0x4000, s31;
	s1 =	sadd.s32 s1, s30  }
0xb9: {  	s0 =	sor.u32 s3, s0;
	s1 =	sshll.u32 s1, $0x11  }
0xba: {  	s0 =	sor.u32 s1, s0  }
0xbb: {  	s0 =	sadd.s32 $0x8F2B, s0  }
0xbc: {  	[sflag:s0] =	ssyncadd.remote.s32 $0x1  }
0xbd: {  	_ =	sfence.sel $0xFFFF  }
0xbe: {  	[dreg:$0x0] =	wrdreg $0xFFFFFFFF;
	(pc) =	sbr.abs _section_cstart, $3  }
0xbf: {  	[dreg:$0x1] =	wrdreg $0xFFFFFFFF  }
0xc0: {  	_ =	task.clear_ibuf [dreg:s6], $0x2FFFF;
	_ =	strace $0x9FFFFFFF  }
0xc1: {  	(tm) =	ssettm $0x7FFFFFFF  }
tec
execute0_lowered:
.L_overlay_start_1:
0x0: {  	(tag) =	ssettag $0x1  }
0x1: {  	s4 =	rddreg [dreg:$0x0]  }
0x2: {  	s0 =	rddreg [dreg:$0x1];
	s2 =	simm.s32 $0x0;
	s3 =	srdreg.scid  }
0x3: {  	s1 =	stileid.u32;
	s9 =	simm.s32 $0x400;
	s10 =	simm.s32 $0x0  }
0x4: {  	[smem:$0x7FF] =	sst s2;
	s5 =	sand.u32 $0x1, s3;
	s31 =	sshll.u32 s1, $0x1  }
0x5: {  	s3 =	sadd.s32 $0xF43A00, s4;
	_ =	strace $0x80000047;
	s6 =	sor.u32 s5, s31  }
0x6: {  	s5 =	ssub.s32 $0x2, s5;
	s7 =	sshll.u32 s6, $0x7;
	s6 =	sshll.u32 s6, $0xD  }
0x7: {  	s8 =	sshrl.u32 s5, $0x1;
	s7 =	sadd.s32 s7, s4;
	s6 =	sadd.s32 s6, s4  }
0x8: {  	s8 =	ssub.s32 s5, s8;
	s4 =	sadd.s32 $0x1600, s7;
	s5 =	sadd.s32 $0x2600, s6  }
0x9: {  	s6 =	smax.u32 s8, $0x1;
	s7 =	simm.s32 $0x2;
	s8 =	simm.s32 $0x1  }
.LBB2_1:
0xa: {  	[tilespmem:s2], [sflag:$0x2] =	stream.linear.gather [hbm4b:s4+s2], $0x400, $0x38;
	[tilespmem:$0x10400] =	vst v63  }
0xb: {  	_ =	swait.ge [sflag:s7], $0x400  }
0xc: {  	[sflag:s7] =	ssyncset.done $0x0  }
0xd: {  	[sflag:s7] =	ssyncadd.s32 $0xFFFFFC00  }
0xe: {  	v0 =	vld [tilespmem:s2+$0x0];
	_ =	sdelay $0x4  }
0xf: {  	v0 =	vshll.u32 v0, $0x3  }
0x10: {  	(v2sf) =	vpush v0, $0x0  }
0x11: {  	(v2sf) =	vpush v0, $0x1  }
0x12: {  	(v2sf) =	vpush v0, $0x2;
	_ =	sdelay $0x1  }
0x13: {  	(v2sf) =	vpush v0, $0x4;
	_ =	sdelay $0x1  }
0x14: {  	(v2sf) =	vpush v0, $0x3  }
0x15: {  	(v2sf) =	vpush v0, $0x5  }
0x16: {  	s12 =	simm.s32 $0x1000;
	s11 =	simm.s32 $0x0;
	s13 =	simm.s32 $0x0;
	(v2sf) =	vpush v0, $0x6  }
.LBB2_2:
0x17: {  	p0 =	sne.s32 s12, $0x3F000  }
0x18: {  	s23 =	sadd.s32 $0x440, s11;
	s17 =	sadd.s32 $0x6C0, s11;
	s14 =	smov.u32 s12  }
0x19: {  	s12 =	sadd.s32 $0x1000, s12;
	s20 =	sadd.s32 $0x5C0, s11;
	s15 =	sadd.s32 $0x700, s11;
	(v2sf) =	vpush v0, $0x7  }
0x1a: {  	s22 =	sadd.s32 $0x540, s11;
	s19 =	sadd.s32 $0x600, s11;
	s16 =	sadd.s32 $0x740, s11  }
0x1b: {  	s24 =	sadd.s32 $0x400, s11;
	s25 =	sadd.s32 $0x500, s11;
	(v2sf) =	vpush v0, $0x8  }
0x1c: {  	s26 =	sadd.s32 $0x580, s11;
	s13 =	sadd.s32 $0x10, s13  }
0x1d: {  	s28 =	sadd.s32 $0x480, s11;
	s18 =	sadd.s32 $0x680, s11;
	s21 =	spop (v2sf);
	(v2sf) =	vpush v0, $0x9  }
0x1e: {  	s29 =	sand.u32 $0x1FFFFFF8, s21;
	s21 =	sadd.s32 $0x640, s11;
	s30 =	spop (v2sf)  }
0x1f: {  	s29 =	sadd.s32 s3, s29;
	s30 =	sand.u32 $0x1FFFFFF8, s30;
	s31 =	spop (v2sf);
	(v2sf) =	vpush v0, $0xA  }
0x20: {  	[tilespmem:s24], [sflag:$0x1] =	stream.linear.gather [hbm4b:s29+s2], $0x40, $0x38;
	[tilespmem:$0x10400] =	vst v63  }
0x21: {  	s24 =	sadd.s32 s3, s30;
	s29 =	sadd.s32 $0x4C0, s11;
	s30 =	spop (v2sf);
	(v2sf) =	vpush v0, $0xB  }
0x22: {  	[tilespmem:s23], [sflag:$0x1] =	stream.linear.gather [hbm4b:s24+s2], $0x40, $0x38;
	[tilespmem:$0x10400] =	vst v63  }
0x23: {  	s23 =	sand.u32 $0x1FFFFFF8, s31;
	s24 =	sand.u32 $0x1FFFFFF8, s30;
	s30 =	spop (v2sf);
	(v2sf) =	vpush v0, $0xC  }
0x24: {  	s23 =	sadd.s32 s3, s23;
	s30 =	sand.u32 $0x1FFFFFF8, s30;
	s31 =	spop (v2sf)  }
0x25: {  	[tilespmem:s28], [sflag:$0x1] =	stream.linear.gather [hbm4b:s23+s2], $0x40, $0x38;
	(v2sf) =	vpush v0, $0xD;
	[tilespmem:$0x10400] =	vst v63  }
0x26: {  	s23 =	sadd.s32 s3, s30;
	s28 =	sand.u32 $0x1FFFFFF8, s31;
	s30 =	spop (v2sf)  }
0x27: {  	[tilespmem:s29], [sflag:$0x1] =	stream.linear.gather [hbm4b:s23+s2], $0x40, $0x38;
	(v2sf) =	vpush v0, $0xE;
	[tilespmem:$0x10400] =	vst v63  }
0x28: {  	s23 =	sadd.s32 s3, s24;
	s24 =	sand.u32 $0x1FFFFFF8, s30;
	s29 =	spop (v2sf)  }
0x29: {  	[tilespmem:s25], [sflag:$0x1] =	stream.linear.gather [hbm4b:s23+s2], $0x40, $0x38;
	(v2sf) =	vpush v0, $0xF;
	[tilespmem:$0x10400] =	vst v63  }
0x2a: {  	s23 =	sadd.s32 s3, s28;
	s25 =	sand.u32 $0x1FFFFFF8, s29;
	s28 =	spop (v2sf)  }
0x2b: {  	[tilespmem:s22], [sflag:$0x1] =	stream.linear.gather [hbm4b:s23+s2], $0x40, $0x38;
	[tilespmem:$0x10400] =	vst v63  }
0x2c: {  	s22 =	sadd.s32 s3, s24;
	s23 =	sand.u32 $0x1FFFFFF8, s28;
	s24 =	spop (v2sf)  }
0x2d: {  	[tilespmem:s26], [sflag:$0x1] =	stream.linear.gather [hbm4b:s22+s2], $0x40, $0x38;
	[tilespmem:$0x10400] =	vst v63  }
0x2e: {  	s22 =	sadd.s32 s3, s25;
	s24 =	sand.u32 $0x1FFFFFF8, s24;
	s25 =	spop (v2sf)  }
0x2f: {  	[tilespmem:s20], [sflag:$0x1] =	stream.linear.gather [hbm4b:s22+s2], $0x40, $0x38;
	[tilespmem:$0x10400] =	vst v63  }
0x30: {  	s20 =	sadd.s32 s3, s23;
	s22 =	sand.u32 $0x1FFFFFF8, s25;
	s23 =	spop (v2sf)  }
0x31: {  	[tilespmem:s19], [sflag:$0x1] =	stream.linear.gather [hbm4b:s20+s2], $0x40, $0x38;
	[tilespmem:$0x10400] =	vst v63  }
0x32: {  	s19 =	sadd.s32 s3, s24;
	s20 =	sand.u32 $0x1FFFFFF8, s23;
	s23 =	spop (v2sf)  }
0x33: {  	[tilespmem:s21], [sflag:$0x1] =	stream.linear.gather [hbm4b:s19+s2], $0x40, $0x38;
	[tilespmem:$0x10400] =	vst v63  }
0x34: {  	s19 =	sadd.s32 s3, s22;
	s21 =	sand.u32 $0x1FFFFFF8, s23;
	s22 =	spop (v2sf)  }
0x35: {  	[tilespmem:s18], [sflag:$0x1] =	stream.linear.gather [hbm4b:s19+s2], $0x40, $0x38;
	[tilespmem:$0x10400] =	vst v63  }
0x36: {  	s18 =	sadd.s32 s3, s20;
	s19 =	sand.u32 $0x1FFFFFF8, s22;
	s20 =	spop (v2sf)  }
0x37: {  	[tilespmem:s17], [sflag:$0x1] =	stream.linear.gather [hbm4b:s18+s2], $0x40, $0x38;
	[tilespmem:$0x10400] =	vst v63  }
0x38: {  	s17 =	sadd.s32 s3, s21;
	s18 =	sand.u32 $0x1FFFFFF8, s20;
	s20 =	spop (v2sf)  }
0x39: {  	[tilespmem:s15], [sflag:$0x1] =	stream.linear.gather [hbm4b:s17+s2], $0x40, $0x38;
	[tilespmem:$0x10400] =	vst v63  }
0x3a: {  	s15 =	sadd.s32 s3, s19;
	s17 =	sand.u32 $0x1FFFFFF8, s20  }
0x3b: {  	[tilespmem:s16], [sflag:$0x1] =	stream.linear.gather [hbm4b:s15+s2], $0x40, $0x38;
	[tilespmem:$0x10400] =	vst v63  }
0x3c: {  	s15 =	sadd.s32 $0x780, s11;
	s16 =	sadd.s32 s3, s18  }
0x3d: {  	[tilespmem:s15], [sflag:$0x1] =	stream.linear.gather [hbm4b:s16+s2], $0x40, $0x38;
	[tilespmem:$0x10400] =	vst v63  }
0x3e: {  	s11 =	sadd.s32 $0x7C0, s11;
	s15 =	sadd.s32 s3, s17  }
0x3f: {  	[tilespmem:s11], [sflag:$0x1] =	stream.linear.gather [hbm4b:s15+s2], $0x40, $0x38;
	[tilespmem:$0x10400] =	vst v63  }
0x40: {  	v0 =	vld [tilespmem:s13+$0x0];
	_ =	sdelay $0x4  }
0x41: {  	v0 =	vshll.u32 v0, $0x3  }
0x42: {  	(v2sf) =	vpush v0, $0x0  }
0x43: {  	(v2sf) =	vpush v0, $0x1  }
0x44: {  	(v2sf) =	vpush v0, $0x2;
	_ =	sdelay $0x1  }
0x45: {  	(v2sf) =	vpush v0, $0x4  }
.Ltmp0:
0x46: {  	(pc) =	sbr.rel @p0 .LBB2_2-.Ltmp0, $3  }
0x47: {  	(v2sf) =	vpush v0, $0x3  }
0x48: {  	(v2sf) =	vpush v0, $0x5;
	_ =	sdelay $0x1  }
0x49: {  	s11 =	sshra.s32 s14, $0x2;
	(v2sf) =	vpush v0, $0x6  }
0x4a: {  	_ =	sdelay $0x1  }
0x4b: {  	s15 =	sadd.s32 $0x440, s11;
	s14 =	sadd.s32 $0x6C0, s11  }
0x4c: {  	s16 =	sadd.s32 $0x5C0, s11;
	s12 =	sadd.s32 $0x700, s11;
	(v2sf) =	vpush v0, $0x7;
	s17 =	sadd.s32 $0x540, s11  }
0x4d: {  	s18 =	sadd.s32 $0x600, s11;
	s13 =	sadd.s32 $0x740, s11;
	s19 =	sadd.s32 $0x400, s11  }
0x4e: {  	s20 =	sadd.s32 $0x500, s11;
	s21 =	sadd.s32 $0x580, s11;
	(v2sf) =	vpush v0, $0x8;
	s22 =	spop (v2sf)  }
0x4f: {  	s23 =	sadd.s32 $0x480, s11;
	s22 =	sand.u32 $0x1FFFFFF8, s22;
	s24 =	spop (v2sf)  }
0x50: {  	(v2sf) =	vpush v0, $0x9;
	s22 =	sadd.s32 s3, s22;
	s24 =	sand.u32 $0x1FFFFFF8, s24;
	s25 =	spop (v2sf)  }
0x51: {  	[tilespmem:s19], [sflag:$0x1] =	stream.linear.gather [hbm4b:s22+s2], $0x40, $0x38;
	[tilespmem:$0x10400] =	vst v63  }
0x52: {  	s26 =	sadd.s32 $0x4C0, s11;
	(v2sf) =	vpush v0, $0xA;
	s30 =	sadd.s32 s3, s24;
	s31 =	spop (v2sf)  }
0x53: {  	[tilespmem:s15], [sflag:$0x1] =	stream.linear.gather [hbm4b:s30+s2], $0x40, $0x38;
	[tilespmem:$0x10400] =	vst v63  }
0x54: {  	s19 =	sadd.s32 $0x680, s11;
	s28 =	sand.u32 $0x1FFFFFF8, s25;
	(v2sf) =	vpush v0, $0xB;
	s29 =	spop (v2sf)  }
0x55: {  	s22 =	sadd.s32 s3, s28;
	s15 =	sadd.s32 $0x640, s11;
	s25 =	sand.u32 $0x1FFFFFF8, s29  }
0x56: {  	(v2sf) =	vpush v0, $0xC;
	[tilespmem:s23], [sflag:$0x1] =	stream.linear.gather [hbm4b:s22+s2], $0x40, $0x38;
	[tilespmem:$0x10400] =	vst v63  }
0x57: {  	s30 =	sand.u32 $0x1FFFFFF8, s31;
	s31 =	spop (v2sf);
	s28 =	sadd.s32 s3, s25  }
0x58: {  	(v2sf) =	vpush v0, $0xD;
	[tilespmem:s26], [sflag:$0x1] =	stream.linear.gather [hbm4b:s28+s2], $0x40, $0x38;
	[tilespmem:$0x10400] =	vst v63  }
0x59: {  	s22 =	sadd.s32 s3, s30;
	s23 =	sand.u32 $0x1FFFFFF8, s31;
	s29 =	spop (v2sf)  }
0x5a: {  	(v2sf) =	vpush v0, $0xE;
	[tilespmem:s20], [sflag:$0x1] =	stream.linear.gather [hbm4b:s22+s2], $0x40, $0x38;
	[tilespmem:$0x10400] =	vst v63  }
0x5b: {  	s23 =	sadd.s32 s3, s23;
	s30 =	sand.u32 $0x1FFFFFF8, s29;
	s31 =	spop (v2sf)  }
0x5c: {  	(v2sf) =	vpush v0, $0xF;
	[tilespmem:s17], [sflag:$0x1] =	stream.linear.gather [hbm4b:s23+s2], $0x40, $0x38;
	[tilespmem:$0x10400] =	vst v63  }
0x5d: {  	s24 =	sand.u32 $0x1FFFFFF8, s31;
	s25 =	spop (v2sf);
	s20 =	sadd.s32 s3, s30  }
0x5e: {  	[tilespmem:s21], [sflag:$0x1] =	stream.linear.gather [hbm4b:s20+s2], $0x40, $0x38;
	[tilespmem:$0x10400] =	vst v63  }
0x5f: {  	s26 =	sand.u32 $0x1FFFFFF8, s25;
	s17 =	sadd.s32 s3, s24;
	s28 =	spop (v2sf)  }
0x60: {  	[tilespmem:s16], [sflag:$0x1] =	stream.linear.gather [hbm4b:s17+s2], $0x40, $0x38;
	[tilespmem:$0x10400] =	vst v63  }
0x61: {  	s20 =	sadd.s32 s3, s26;
	s29 =	sand.u32 $0x1FFFFFF8, s28;
	s30 =	spop (v2sf)  }
0x62: {  	[tilespmem:s18], [sflag:$0x1] =	stream.linear.gather [hbm4b:s20+s2], $0x40, $0x38;
	[tilespmem:$0x10400] =	vst v63  }
0x63: {  	s17 =	sand.u32 $0x1FFFFFF8, s30;
	s16 =	sadd.s32 s3, s29;
	s31 =	spop (v2sf)  }
0x64: {  	[tilespmem:s15], [sflag:$0x1] =	stream.linear.gather [hbm4b:s16+s2], $0x40, $0x38;
	[tilespmem:$0x10400] =	vst v63  }
0x65: {  	s17 =	sadd.s32 s3, s17;
	s20 =	sand.u32 $0x1FFFFFF8, s31;
	s21 =	spop (v2sf)  }
0x66: {  	[tilespmem:s19], [sflag:$0x1] =	stream.linear.gather [hbm4b:s17+s2], $0x40, $0x38;
	[tilespmem:$0x10400] =	vst v63  }
0x67: {  	s15 =	sadd.s32 s3, s20;
	s16 =	sand.u32 $0x1FFFFFF8, s21;
	s22 =	spop (v2sf)  }
0x68: {  	[tilespmem:s14], [sflag:$0x1] =	stream.linear.gather [hbm4b:s15+s2], $0x40, $0x38;
	[tilespmem:$0x10400] =	vst v63  }
0x69: {  	s23 =	sand.u32 $0x1FFFFFF8, s22;
	s16 =	sadd.s32 s3, s16;
	s24 =	spop (v2sf)  }
0x6a: {  	[tilespmem:s12], [sflag:$0x1] =	stream.linear.gather [hbm4b:s16+s2], $0x40, $0x38;
	[tilespmem:$0x10400] =	vst v63  }
0x6b: {  	s25 =	sand.u32 $0x1FFFFFF8, s24;
	s26 =	spop (v2sf);
	s14 =	sadd.s32 s3, s23  }
0x6c: {  	[tilespmem:s13], [sflag:$0x1] =	stream.linear.gather [hbm4b:s14+s2], $0x40, $0x38;
	[tilespmem:$0x10400] =	vst v63  }
0x6d: {  	s29 =	sadd.s32 $0x780, s11;
	s28 =	sand.u32 $0x1FFFFFF8, s26;
	s12 =	sadd.s32 s3, s25  }
0x6e: {  	[tilespmem:s29], [sflag:$0x1] =	stream.linear.gather [hbm4b:s12+s2], $0x40, $0x38;
	[tilespmem:$0x10400] =	vst v63  }
0x6f: {  	s30 =	sadd.s32 $0x7C0, s11;
	s31 =	sadd.s32 s3, s28  }
0x70: {  	[tilespmem:s30], [sflag:$0x1] =	stream.linear.gather [hbm4b:s31+s2], $0x40, $0x38;
	[tilespmem:$0x10400] =	vst v63  }
0x71: {  	s10 =	sadd.s32 $0x1, s10;
	_ =	swait.ge [sflag:s8], $0x10000  }
0x72: {  	p0 =	sne.s32 s10, s6;
	[sflag:s8] =	ssyncset.done $0x0  }
.Ltmp1:
0x73: {  	[sflag:s8] =	ssyncadd.s32 $0xFFFF0000;
	(pc) =	sbr.rel @p0 .LBB2_1-.Ltmp1, $4  }
0x74: {  	[hbm4b:s5+s2] =	stream.linear.scatter [tilespmem:s9], [sflag:$0x2], $0x10000, $0x38;
	[tilespmem:$0x10400] =	vst v63  }
0x75: {  	_ =	swait.ge [sflag:s7], $0x10000  }
0x76: {  	[sflag:s7] =	ssyncset.done $0x0  }
0x77: {  	[sflag:s7] =	ssyncadd.s32 $0xFFFF0000  }
0x78: {  	_ =	sfence.sel $0x180000  }
0x79: {  	[bflag:$0x0] =	sbarrier.arrive $0xFFFF  }
0x7a: {  	p0 =	sne.s32 s1, $0x0;
	_ =	strace $0x90000047  }
0x7b: {  	s0 =	sadd.s32 @!p0 $0x100000, s0;
	[bflag:$0x2] =	sbarrier.arrive $0xFFFF  }
0x7c: {  	[sflag:s0] =	ssyncadd.tile.s32 @!p0 $0x1;
	_ =	shalt  }
.Lfunc_end2:
_tile_overlayer_lowered:
.L_overlay_start_2:
0x7d: {  	(tag) =	ssettag $0x2  }
0x7e: {  	s0 =	rddreg [dreg:$0x0];
	s2 =	stileid.u32  }
0x7f: {  	s1 =	rddreg [dreg:$0x1];
	p0 =	sne.s32 s2, $0x0  }
0x80: {  	s3 =	rddreg [dreg:$0x2];
	[bflag:$0x3] =	sbarrier.arrive $0xFFFF;
	s2 =	simm.s32 @!p0 $0x1C02  }
0x81: {  	[timem:s3], [sflag:s2] =	dma.local @!p0 [hbm:s0], s1  }
0x82: {  	s0 =	simm.s32 @!p0 $0x2  }
0x83: {  	_ =	swait.ge @!p0 [sflag:s0], s1  }
0x84: {  	s1 =	ssub.s32 @!p0 $0x0, s1;
	[sflag:s0] =	ssyncset.done @!p0 $0x0  }
0x85: {  	[sflag:s0] =	ssyncadd.s32 @!p0 s1  }
0x86: {  	[bflag:$0x3] =	sbarrier.arrive $0xFFFF  }
0x87: {  	_ =	shalt  }

</sc_bundles>
